<compile_context>
chip_gen: v7x
topology: tpu7x:2x2x1
jax: 0.10.2.dev20260603
libtpu: 0.0.44.dev20260713+nightly
codegen_flags: <defaults>
</compile_context>

<pallas_src>
import dataclasses
import functools

import jax
import jax.numpy as jnp
from jax import lax
from jax.experimental import pallas as pl
from jax.experimental.pallas import tpu as pltpu
from jax.experimental.pallas import tpu_sc as plsc

_B, _S, _K, _C = 4, 2048, 1024, 42
_R = 2 * _B
_L = 16
_CHUNKS = _S // _L


def _sc_gather(bert2d, masks):
    mesh = plsc.VectorSubcoreMesh(core_axis_name="c", subcore_axis_name="s")
    cp = pltpu.CompilerParams()
    if "needs_layout_passes" in pltpu.CompilerParams.__dataclass_fields__:
        cp = dataclasses.replace(cp, needs_layout_passes=False)

    @functools.partial(
        pl.kernel,
        mesh=mesh,
        compiler_params=cp,
        out_type=jax.ShapeDtypeStruct((_B, 2 * _K), jnp.float32),
        scratch_types=[
            pltpu.VMEM((_S,), jnp.int32),
            pltpu.VMEM((1, _K), jnp.float32),
        ],
    )
    def k(bert_hbm, masks_hbm, out_hbm, mask_v, row_v):
        w = lax.axis_index("s") * 2 + lax.axis_index("c")

        @pl.when(w < _R)
        def _():
            pltpu.sync_copy(masks_hbm.at[pl.ds(w * _S, _S)], mask_v)
            base = lax.iota(jnp.int32, _L)

            def body(i, acc):
                chunk = mask_v[pl.ds(i * _L, _L)]
                return jnp.maximum(acc, chunk * (base + i * _L))

            acc = lax.fori_loop(0, _CHUNKS, body, jnp.zeros((_L,), jnp.int32))
            pos = jnp.max(acc, axis=0)
            b_idx = w // 2
            e_idx = w % 2
            pltpu.sync_copy(bert_hbm.at[pl.ds(b_idx * _S + pos, 1), :], row_v)
            pltpu.sync_copy(
                row_v, out_hbm.at[pl.ds(b_idx, 1), pl.ds(e_idx * _K, _K)]
            )

    return k(bert2d, masks)


def _tc_head(dense, W, b2):

    def body(x_ref, w_ref, b_ref, o_ref):
        logits = (
            jnp.dot(x_ref[...], w_ref[...], preferred_element_type=jnp.float32)
            + b_ref[...]
        )
        m = jnp.max(logits, axis=-1, keepdims=True)
        e = jnp.exp(logits - m)
        o_ref[...] = e / jnp.sum(e, axis=-1, keepdims=True)

    return pl.pallas_call(
        body,
        out_shape=jax.ShapeDtypeStruct((_B, _C), jnp.float32),
    )(dense, W, b2)


def kernel(bert_output, e1_mask, e2_mask, W, b):
    masks = (
        jnp.stack([e1_mask, e2_mask], axis=1).astype(jnp.int32).reshape(_R * _S)
    )
    bert2d = bert_output.reshape(_B * _S, _K)
    dense = _sc_gather(bert2d, masks)
    out = _tc_head(dense, W, b.reshape(1, _C))
    return out.reshape(_B, 1, _C)

# --- scband reference (transcript-rebuilt; emitter-appended) ---
"""Pipeline reference for scband-entity-start-head-7559142440989 (READ-ONLY COPY).

The authoritative reference and input builder live on the scoring server;
editing this copy changes nothing except your own understanding.
"""

import jax, jax.numpy as jnp
import numpy as np

B, S, K, C = 4, 2048, 1024, 42

def setup_inputs(seed: int = 0) -> dict:
    key = jax.random.key(seed)
    k1, k2, k3, k4 = jax.random.split(key, 4)
    bert_output = jax.random.normal(k1, (B, S, K), dtype=jnp.float32)
    # Entity start masks: exactly one True per row (as produced by EntityStartProcessor),
    # which is required for tf.ragged.boolean_mask(...).to_tensor() to yield [B,1,K]
    # and for the Concatenate layer to receive matching shapes.
    p1 = jax.random.randint(k2, (B,), 0, S)
    p2 = jax.random.randint(k3, (B,), 0, S)
    e1_mask = jnp.arange(S)[None, :] == p1[:, None]
    e2_mask = jnp.arange(S)[None, :] == p2[:, None]
    W = jax.random.normal(k4, (2 * K, C), dtype=jnp.float32) * 0.02
    b = jnp.zeros((C,), dtype=jnp.float32)  # bias_initializer='zeros'
    return {"bert_output": bert_output, "e1_mask": e1_mask, "e2_mask": e2_mask, "W": W, "b": b}

def reference(bert_output, e1_mask, e2_mask, W, b):
    # MaskLayer: tf.ragged.boolean_mask(inputs, mask).to_tensor(); with exactly one
    # True per row this equals gathering the hidden state at the True position -> [B,1,K].
    def mask_pool(x, m):
        idx = jnp.argmax(m.astype(jnp.int32), axis=1)          # [B]
        return jnp.take_along_axis(x, idx[:, None, None], axis=1)  # [B,1,K]
    e1 = mask_pool(bert_output, e1_mask)
    e2 = mask_pool(bert_output, e2_mask)
    dense_input = jnp.concatenate([e1, e2], axis=-1)           # [B,1,2K]
    # Dropout is identity at inference (Keras default training=False).
    logits = jnp.einsum('btk,kc->btc', dense_input, W) + b     # [B,1,C]
    return jax.nn.softmax(logits, axis=-1)

if False:  # reference __main__ guard neutralized (emitter)
    out = reference(**setup_inputs())
    print(out.shape)

if __name__ == "__main__":
    import jax
    _d = setup_inputs()
    print(jax.jit(kernel)(*tuple(_d.values())))

</pallas_src>

<mosaic_0001>
#map = affine_map<(d0, d1) -> (0, 0)>
#map1 = affine_map<(d0, d1) -> (0)>
module attributes {stable_mosaic.version = 14 : i64} {
  func.func @k(%arg0: i32, %arg1: i32, %arg2: memref<8192x1024xf32, #tpu.memory_space<hbm>>, %arg3: memref<16384xi32, #tpu.memory_space<hbm>>, %arg4: memref<4x2048xf32, #tpu.memory_space<hbm>>, %arg5: memref<2048xi32, #tpu.memory_space<vmem>>, %arg6: memref<1x1024xf32, #tpu.memory_space<vmem>>) attributes {dimension_semantics = [#tpu.dimension_semantics<core_parallel>, #tpu.dimension_semantics<subcore_parallel>], iteration_bounds = array<i64: 2, 16>, scalar_prefetch = 0 : i64, scratch_operands = 2 : i64, tpu.core_type = #tpu.core_type<sc_vector_subcore>, window_params = [{transform_indices = #map}, {transform_indices = #map1}, {transform_indices = #map}]} {
    %mul3A = arith.constant 2 : i32
    %mul3A_0 = arith.muli %arg1, %mul3A : i32
    %add3A = arith.addi %mul3A_0, %arg0 : i32
    %lt3A = arith.constant 8 : i32
    %lt3A_1 = arith.cmpi slt, %add3A, %lt3A : i32
    %convert_element_type3A = arith.extui %lt3A_1 : i1 to i32
    %cond3A = arith.constant 0 : i32
    %cond3A_2 = arith.cmpi ne, %convert_element_type3A, %cond3A : i32
    scf.if %cond3A_2 {
      %mul3A_3 = arith.constant 2048 : i32
      %mul3A_4 = arith.muli %add3A, %mul3A_3 : i32
      "tpu.region"() ({
        %run_scoped3A = tpu.sem_alloc : memref<!tpu.dma_semaphore, #tpu.memory_space<semaphore_mem>>
        %dma_start3A = tpu.memref_slice %arg3[%mul3A_4] : memref<16384xi32, #tpu.memory_space<hbm>> -> memref<2048xi32, #tpu.memory_space<hbm>>
        %dma_start3A_54 = tpu.memref_slice %arg3[%mul3A_4] : memref<16384xi32, #tpu.memory_space<hbm>> -> memref<2048xi32, #tpu.memory_space<hbm>>
        tpu.enqueue_dma source(%dma_start3A_54 : memref<2048xi32, #tpu.memory_space<hbm>>) target(%arg5 : memref<2048xi32, #tpu.memory_space<vmem>>) target_semaphore(%run_scoped3A : memref<!tpu.dma_semaphore, #tpu.memory_space<semaphore_mem>>)
        %dma_wait3A = tpu.memref_slice %arg3[%mul3A_4] : memref<16384xi32, #tpu.memory_space<hbm>> -> memref<2048xi32, #tpu.memory_space<hbm>>
        %dma_wait3A_55 = tpu.memref_slice %arg3[%mul3A_4] : memref<16384xi32, #tpu.memory_space<hbm>> -> memref<2048xi32, #tpu.memory_space<hbm>>
        tpu.wait_dma2 semaphore(%run_scoped3A : memref<!tpu.dma_semaphore, #tpu.memory_space<semaphore_mem>>) src(%dma_wait3A_55 : memref<2048xi32, #tpu.memory_space<hbm>>) dst(%arg5 : memref<2048xi32, #tpu.memory_space<vmem>>)
        tpu.yield
      }) : () -> ()
      %iota3A = tpu.iota {dimensions = array<i32: 0>} : vector<16xi32>
      %broadcast_in_dim3A = arith.constant 0 : i32
      %broadcast_in_dim3A_5 = vector.broadcast %broadcast_in_dim3A : i32 to vector<16xi32>
      %scan3A = arith.constant 0 : i32
      %scan3A_6 = arith.constant 128 : i32
      %scan3A_7 = arith.addi %scan3A, %scan3A_6 : i32
      %scan3A_8 = arith.constant 1 : i32
      %scan3A_9 = scf.for %scan3A_54 = %scan3A to %scan3A_7 step %scan3A_8 iter_args(%scan3A_55 = %broadcast_in_dim3A_5) -> (vector<16xi32>)  : i32 {
        %mul3A_56 = arith.constant 16 : i32
        %mul3A_57 = arith.muli %scan3A_54, %mul3A_56 : i32
        %get3A = arith.index_cast %mul3A_57 : i32 to index
        %get3A_58 = tpu.vector_load %arg5[%get3A] {strides = array<i32>} : memref<2048xi32, #tpu.memory_space<vmem>>, vector<16xi32>,
        %mul3A_59 = arith.constant 16 : i32
        %mul3A_60 = arith.muli %scan3A_54, %mul3A_59 : i32
        %add3A_61 = vector.broadcast %mul3A_60 : i32 to vector<16xi32>
        %add3A_62 = arith.addi %iota3A, %add3A_61 : vector<16xi32>
        %mul3A_63 = arith.muli %get3A_58, %add3A_62 : vector<16xi32>
        %max3A = arith.maxsi %scan3A_55, %mul3A_63 : vector<16xi32>
        scf.yield %max3A : vector<16xi32>
      }
      %scan3A_10 = arith.constant 128 : i32
      %reduce_max3A = arith.constant true
      %reduce_max3A_11 = vector.broadcast %reduce_max3A : i1 to vector<16xi1>
      %reduce_max3A_12 = arith.constant -2147483648 : i32
      %reduce_max3A_13 = vector.broadcast %reduce_max3A_12 : i32 to vector<16xi32>
      %reduce_max3A_14 = arith.xori %scan3A_9, %reduce_max3A_13 : vector<16xi32>
      %reduce_max3A_15 = tpu.scan <max>, %reduce_max3A_14 masked %reduce_max3A_11 : vector<16xi32>, vector<16xi1> -> vector<16xi32>
      %reduce_max3A_16 = arith.xori %reduce_max3A_15, %reduce_max3A_13 : vector<16xi32>
      %reduce_max3A_17 = vector.extract %reduce_max3A_16[15] : i32 from vector<16xi32>
      %jit3A = arith.constant 2 : i32
      %div3A = arith.divsi %add3A, %jit3A : i32
      %sign3A = arith.constant 0 : i32
      %sign3A_18 = arith.cmpi sgt, %add3A, %sign3A : i32
      %sign3A_19 = arith.extui %sign3A_18 : i1 to i32
      %sign3A_20 = arith.constant 0 : i32
      %sign3A_21 = arith.cmpi slt, %add3A, %sign3A_20 : i32
      %sign3A_22 = arith.extui %sign3A_21 : i1 to i32
      %sign3A_23 = arith.subi %sign3A_19, %sign3A_22 : i32
      %sign3A_24 = arith.constant 0 : i32
      %sign3A_25 = arith.cmpi sgt, %jit3A, %sign3A_24 : i32
      %sign3A_26 = arith.extui %sign3A_25 : i1 to i32
      %sign3A_27 = arith.constant 0 : i32
      %sign3A_28 = arith.cmpi slt, %jit3A, %sign3A_27 : i32
      %sign3A_29 = arith.extui %sign3A_28 : i1 to i32
      %sign3A_30 = arith.subi %sign3A_26, %sign3A_29 : i32
      %ne3A = arith.cmpi ne, %sign3A_23, %sign3A_30 : i32
      %rem3A = arith.remsi %add3A, %jit3A : i32
      %ne3A_31 = arith.constant 0 : i32
      %ne3A_32 = arith.cmpi ne, %rem3A, %ne3A_31 : i32
      %and3A = arith.andi %ne3A, %ne3A_32 : i1
      %sub3A = arith.constant 1 : i32
      %sub3A_33 = arith.subi %div3A, %sub3A : i32
      %select_n3A = arith.select %and3A, %sub3A_33, %div3A : i32
      %jit3A_34 = arith.constant 2 : i32
      %eq3A = arith.constant 0 : i32
      %eq3A_35 = arith.cmpi eq, %jit3A_34, %eq3A : i32
      %jit3A_36 = arith.constant 1 : i32
      %select_n3A_37 = arith.select %eq3A_35, %jit3A_36, %jit3A_34 : i32
      %rem3A_38 = arith.remsi %add3A, %select_n3A_37 : i32
      %ne3A_39 = arith.constant 0 : i32
      %ne3A_40 = arith.cmpi ne, %rem3A_38, %ne3A_39 : i32
      %lt3A_41 = arith.constant 0 : i32
      %lt3A_42 = arith.cmpi slt, %rem3A_38, %lt3A_41 : i32
      %lt3A_43 = arith.constant 0 : i32
      %lt3A_44 = arith.cmpi slt, %select_n3A_37, %lt3A_43 : i32
      %ne3A_45 = arith.xori %lt3A_42, %lt3A_44 : i1
      %and3A_46 = arith.andi %ne3A_45, %ne3A_40 : i1
      %add3A_47 = arith.addi %rem3A_38, %select_n3A_37 : i32
      %select_n3A_48 = arith.select %and3A_46, %add3A_47, %rem3A_38 : i32
      %mul3A_49 = arith.constant 2048 : i32
      %mul3A_50 = arith.muli %select_n3A, %mul3A_49 : i32
      %add3A_51 = arith.addi %mul3A_50, %reduce_max3A_17 : i32
      "tpu.region"() ({
        %run_scoped3A = tpu.sem_alloc : memref<!tpu.dma_semaphore, #tpu.memory_space<semaphore_mem>>
        %dma_start3A = arith.constant 0 : i32
        %dma_start3A_54 = tpu.memref_slice %arg2[%add3A_51, %dma_start3A] : memref<8192x1024xf32, #tpu.memory_space<hbm>> -> memref<1x1024xf32, #tpu.memory_space<hbm>>
        %dma_start3A_55 = arith.constant 0 : i32
        %dma_start3A_56 = tpu.memref_slice %arg2[%add3A_51, %dma_start3A_55] : memref<8192x1024xf32, #tpu.memory_space<hbm>> -> memref<1x1024xf32, #tpu.memory_space<hbm>>
        tpu.enqueue_dma source(%dma_start3A_56 : memref<1x1024xf32, #tpu.memory_space<hbm>>) target(%arg6 : memref<1x1024xf32, #tpu.memory_space<vmem>>) target_semaphore(%run_scoped3A : memref<!tpu.dma_semaphore, #tpu.memory_space<semaphore_mem>>)
        %dma_wait3A = arith.constant 0 : i32
        %dma_wait3A_57 = tpu.memref_slice %arg2[%add3A_51, %dma_wait3A] : memref<8192x1024xf32, #tpu.memory_space<hbm>> -> memref<1x1024xf32, #tpu.memory_space<hbm>>
        %dma_wait3A_58 = arith.constant 0 : i32
        %dma_wait3A_59 = tpu.memref_slice %arg2[%add3A_51, %dma_wait3A_58] : memref<8192x1024xf32, #tpu.memory_space<hbm>> -> memref<1x1024xf32, #tpu.memory_space<hbm>>
        tpu.wait_dma2 semaphore(%run_scoped3A : memref<!tpu.dma_semaphore, #tpu.memory_space<semaphore_mem>>) src(%dma_wait3A_59 : memref<1x1024xf32, #tpu.memory_space<hbm>>) dst(%arg6 : memref<1x1024xf32, #tpu.memory_space<vmem>>)
        tpu.yield
      }) : () -> ()
      %mul3A_52 = arith.constant 1024 : i32
      %mul3A_53 = arith.muli %select_n3A_48, %mul3A_52 : i32
      "tpu.region"() ({
        %run_scoped3A = tpu.sem_alloc : memref<!tpu.dma_semaphore, #tpu.memory_space<semaphore_mem>>
        %dma_start3A = tpu.memref_slice %arg4[%select_n3A, %mul3A_53] : memref<4x2048xf32, #tpu.memory_space<hbm>> -> memref<1x1024xf32, #tpu.memory_space<hbm>>
        %dma_start3A_54 = tpu.memref_slice %arg4[%select_n3A, %mul3A_53] : memref<4x2048xf32, #tpu.memory_space<hbm>> -> memref<1x1024xf32, #tpu.memory_space<hbm>>
        tpu.enqueue_dma source(%arg6 : memref<1x1024xf32, #tpu.memory_space<vmem>>) target(%dma_start3A_54 : memref<1x1024xf32, #tpu.memory_space<hbm>>) target_semaphore(%run_scoped3A : memref<!tpu.dma_semaphore, #tpu.memory_space<semaphore_mem>>)
        %dma_wait3A = tpu.memref_slice %arg4[%select_n3A, %mul3A_53] : memref<4x2048xf32, #tpu.memory_space<hbm>> -> memref<1x1024xf32, #tpu.memory_space<hbm>>
        %dma_wait3A_55 = tpu.memref_slice %arg4[%select_n3A, %mul3A_53] : memref<4x2048xf32, #tpu.memory_space<hbm>> -> memref<1x1024xf32, #tpu.memory_space<hbm>>
        tpu.wait_dma2 semaphore(%run_scoped3A : memref<!tpu.dma_semaphore, #tpu.memory_space<semaphore_mem>>) src(%arg6 : memref<1x1024xf32, #tpu.memory_space<vmem>>) dst(%dma_wait3A_55 : memref<1x1024xf32, #tpu.memory_space<hbm>>)
        tpu.yield
      }) : () -> ()
    } else {
    }
    return
  }
}

module attributes {stable_mosaic.version = 14 : i64} {
  func.func @body(%arg0: memref<4x2048xf32, #tpu.memory_space<vmem>>, %arg1: memref<2048x42xf32, #tpu.memory_space<vmem>>, %arg2: memref<1x42xf32, #tpu.memory_space<vmem>>, %arg3: memref<4x42xf32, #tpu.memory_space<vmem>>) attributes {dimension_semantics = [], scalar_prefetch = 0 : i64, scratch_operands = 0 : i64, tpu.core_type = #tpu.core_type<tc>} {
    %get3A = arith.constant 0 : index
    %get3A_0 = arith.constant 0 : index
    %get3A_1 = vector.load %arg0[%get3A, %get3A_0] : memref<4x2048xf32, #tpu.memory_space<vmem>>, vector<4x2048xf32>
    %get3A_2 = arith.constant 0 : index
    %get3A_3 = arith.constant 0 : index
    %get3A_4 = vector.load %arg1[%get3A_2, %get3A_3] : memref<2048x42xf32, #tpu.memory_space<vmem>>, vector<2048x42xf32>
    %dot_general3A = arith.constant dense<0.000000e+00> : vector<4x42xf32>
    %dot_general3A_5 = tpu.matmul %get3A_1, %get3A_4, %dot_general3A {dimension_numbers = #tpu.dot_dimension_numbers<[1], [0], [0], [1], [0, 0, 1, 1], [], []>, transpose_lhs_hint = false} : vector<4x2048xf32>, vector<2048x42xf32>, vector<4x42xf32> -> vector<4x42xf32>
    %get3A_6 = arith.constant 0 : index
    %get3A_7 = arith.constant 0 : index
    %get3A_8 = vector.load %arg2[%get3A_6, %get3A_7] : memref<1x42xf32, #tpu.memory_space<vmem>>, vector<1x42xf32>
    %add3A = vector.broadcast %get3A_8 : vector<1x42xf32> to vector<4x42xf32>
    %add3A_9 = arith.addf %dot_general3A_5, %add3A : vector<4x42xf32>
    %reduce_max3A = arith.constant dense<0xFF800000> : vector<4xf32>
    %reduce_max3A_10 = vector.multi_reduction <maximumf>, %add3A_9, %reduce_max3A [1] : vector<4x42xf32> to vector<4xf32>
    %broadcast_in_dim3A = vector.shape_cast %reduce_max3A_10 : vector<4xf32> to vector<4x1xf32>
    %sub3A = vector.broadcast %broadcast_in_dim3A : vector<4x1xf32> to vector<4x42xf32>
    %sub3A_11 = arith.subf %add3A_9, %sub3A : vector<4x42xf32>
    %exp3A = math.exp %sub3A_11 : vector<4x42xf32>
    %reduce_sum3A = arith.constant dense<0.000000e+00> : vector<4xf32>
    %reduce_sum3A_12 = vector.multi_reduction <add>, %exp3A, %reduce_sum3A [1] : vector<4x42xf32> to vector<4xf32>
    %broadcast_in_dim3A_13 = vector.shape_cast %reduce_sum3A_12 : vector<4xf32> to vector<4x1xf32>
    %div3A = vector.broadcast %broadcast_in_dim3A_13 : vector<4x1xf32> to vector<4x42xf32>
    %div3A_14 = arith.divf %exp3A, %div3A : vector<4x42xf32>
    %swap3A = arith.constant 0 : index
    %swap3A_15 = arith.constant 0 : index
    %swap3A_16 = vector.load %arg3[%swap3A, %swap3A_15] : memref<4x42xf32, #tpu.memory_space<vmem>>, vector<4x42xf32>
    tpu.vector_store %arg3[%swap3A, %swap3A_15], %div3A_14 {strides = array<i32>} : memref<4x42xf32, #tpu.memory_space<vmem>>, vector<4x42xf32>,
    return
  }
}

</mosaic_0001>

<sc_bundles>
// kernel: kernel.4.cloned.1.call-start
scs
__scs_entry_jumppad:
0x0: {  	(pc) =	sbr.rel $0x88, $3  }
0x1: {  	(tag) =	ssettag $0x0;
	lr =	simm.s32 $0x1  }
0x2: {  	[smem:$0x3F9C] =	sst lr;
	_ =	strace $0xD0000000  }
0x3: {  	_ = 	snop  }
0x4: {  	_ = 	snop  }
0x5: {  	_ = 	snop  }
0x6: {  	_ = 	snop  }
0x7: {  	_ = 	snop  }
__scs_overlays_trampoline_lowered:
0x8: {  	[smem:$0x3FAB] =	sst s0  }
0x9: {  	[smem:$0x3FAC] =	sst s1  }
0xa: {  	[smem:$0x3FAD] =	sst s2  }
0xb: {  	[smem:$0x3FAE] =	sst s3  }
0xc: {  	[smem:$0x3FAF] =	sst s4  }
0xd: {  	[smem:$0x3FB0] =	sst s5  }
0xe: {  	[smem:$0x3FB1] =	sst s6  }
0xf: {  	[smem:$0x3FB2] =	sst s7  }
0x10: {  	[smem:$0x3FB3] =	sst s8  }
0x11: {  	[smem:$0x3FB4] =	sst s9;
	s0 =	simm.s32 @!p0 $0x0  }
0x12: {  	s1 =	sld [smem:$0x3F9A];
	s0 =	simm.s32 @p0 $0x1  }
0x13: {  	[smem:$0x3FB5] =	sst s0;
	s0 =	simm.s32 @!p1 $0x0  }
0x14: {  	s2 =	sld [smem:$0x3F99];
	s0 =	simm.s32 @p1 $0x1  }
0x15: {  	[smem:$0x3FB6] =	sst s0;
	s0 =	simm.s32 @!p2 $0x0  }
0x16: {  	s3 =	sld [smem:$0x3FDB];
	s0 =	simm.s32 @p2 $0x1  }
0x17: {  	s4 =	simm.s32 $0x1BF5;
	[smem:$0x3FB8] =	sst s0  }
0x18: {  	s0 =	sld [smem:$0x3F9B];
	_ =	swait.ge [sflag:s4], $0x0  }
0x19: {  	s7 =	sld [smem:$0x3F9C]  }
0x1a: {  	s8 =	sadd.s32 $0xFFFFE003, lr  }
0x1b: {  	s9 =	sadd.s32 $0xFFFFFEF7, lr;
	s5 =	simm.s32 $0xFFFFFFFF;
	p2 =	slt.u32 s8, $0xFFFFF086  }
0x1c: {  	p1 =	slt.u32 s9, $0xF7A;
	s5 =	simm.s32 @!p2 $0x0  }
0x1d: {  	s5 =	simm.s32 @p1 $0x1;
	p0 =	seq.s32 s7, s2  }
0x1e: {  	s7 =	smul.u32 @!p0 $0xF7A, s2;
	p2 =	seq.s32 @!p0 s5, $0x0  }
0x1f: {  	s9 =	smul.u32 $0xF7A, s1;
	s8 =	simm.s32 @!p0 $0x1BF5;
	p2 =	por !p2, p0  }
0x20: {  	[sflag:s8] =	ssyncset.s32 @!p0 $0xFFFFF086;
	s6 =	sadd.s32 @!p0 s3, s7;
	s7 =	simm.s32 @!p0 $0x108  }
0x21: {  	s3 =	sadd.s32 s3, s9;
	s6 =	sadd.s32 @!p0 $0x88, s6;
	s7 =	simm.s32 @p2 $0x1082  }
0x22: {  	[simem:s7], [sflag:s8] =	dma.local @!p0 [hbm:s6], $0xF7A  }
0x23: {  	s9 =	sor.u32 $0xD0000000, s2;
	s6 =	simm.s32 $0x108;
	_ =	swait.ge @!p0 [sflag:s8], $0x0  }
0x24: {  	s3 =	sadd.s32 $0x88, s3;
	s6 =	simm.s32 @!p1 $0x1082;
	[sflag:s4] =	ssyncset.s32 $0xFFFFF086  }
0x25: {  	[simem:s6], [sflag:s4] =	dma.local [hbm:s3], $0xF7A  }
0x26: {  	[smem:$0x3F9C] =	sst s1;
	(tag) =	ssettag s2;
	_ =	strace s9  }
0x27: {  	s1 =	sld [smem:$0x3FAC]  }
0x28: {  	s2 =	sld [smem:$0x3FAD]  }
0x29: {  	s4 =	sld [smem:$0x3FAF]  }
0x2a: {  	p0 =	seq.s32 s5, $0x0;
	s5 =	sld [smem:$0x3FB0]  }
0x2b: {  	s6 =	sld [smem:$0x3FB1]  }
0x2c: {  	s7 =	sld [smem:$0x3FB2]  }
0x2d: {  	s3 =	simm.s32 $0x108;
	s8 =	sld [smem:$0x3FB3]  }
0x2e: {  	s3 =	simm.s32 @!p0 $0x1082;
	s9 =	sld [smem:$0x3FB4]  }
0x2f: {  	lr =	sadd.s32 s0, s3;
	s0 =	sld [smem:$0x3FAB]  }
0x30: {  	s3 =	sld [smem:$0x3FAE]  }
0x31: {  	[smem:$0x3FB7] =	sst s10  }
0x32: {  	s10 =	sld [smem:$0x3FB5];
	_ =	sdelay $0x3  }
0x33: {  	p0 =	seq.s32 s10, $0x1;
	s10 =	sld [smem:$0x3FB7];
	_ =	sdelay $0x3  }
0x34: {  	[smem:$0x3FB7] =	sst s10  }
0x35: {  	s10 =	sld [smem:$0x3FB6];
	_ =	sdelay $0x3  }
0x36: {  	p1 =	seq.s32 s10, $0x1;
	s10 =	sld [smem:$0x3FB7];
	_ =	sdelay $0x3  }
0x37: {  	[smem:$0x3FB7] =	sst s10  }
0x38: {  	s10 =	sld [smem:$0x3FB8]  }
0x39: {  	_ = 	snop;
	(pc) =	sbr.ind lr, $3  }
0x3a: {  	_ = 	snop  }
0x3b: {  	_ = 	snop  }
0x3c: {  	p2 =	seq.s32 s10, $0x1;
	s10 =	sld [smem:$0x3FB7]  }
0x3d: {  	_ =	shalt  }
0x3e: {  	_ =	shalt  }
0x3f: {  	_ =	shalt  }
0x40: {  	_ =	shalt  }
0x41: {  	_ =	shalt  }
0x42: {  	_ =	shalt  }
0x43: {  	_ =	shalt  }
0x44: {  	_ =	shalt  }
0x45: {  	_ =	shalt  }
0x46: {  	_ =	shalt  }
0x47: {  	_ =	shalt  }
0x48: {  	_ =	shalt  }
0x49: {  	_ =	shalt  }
0x4a: {  	_ =	shalt  }
0x4b: {  	_ =	shalt  }
0x4c: {  	_ =	shalt  }
0x4d: {  	_ =	shalt  }
0x4e: {  	_ =	shalt  }
0x4f: {  	_ =	shalt  }
0x50: {  	_ =	shalt  }
0x51: {  	_ =	shalt  }
0x52: {  	_ =	shalt  }
0x53: {  	_ =	shalt  }
0x54: {  	_ =	shalt  }
0x55: {  	_ =	shalt  }
0x56: {  	_ =	shalt  }
0x57: {  	_ =	shalt  }
0x58: {  	_ =	shalt  }
0x59: {  	_ =	shalt  }
0x5a: {  	_ =	shalt  }
0x5b: {  	_ =	shalt  }
0x5c: {  	_ =	shalt  }
0x5d: {  	_ =	shalt  }
0x5e: {  	_ =	shalt  }
0x5f: {  	_ =	shalt  }
0x60: {  	_ =	shalt  }
0x61: {  	_ =	shalt  }
0x62: {  	_ =	shalt  }
0x63: {  	_ =	shalt  }
0x64: {  	_ =	shalt  }
0x65: {  	_ =	shalt  }
0x66: {  	_ =	shalt  }
0x67: {  	_ =	shalt  }
0x68: {  	_ =	shalt  }
0x69: {  	_ =	shalt  }
0x6a: {  	_ =	shalt  }
0x6b: {  	_ =	shalt  }
0x6c: {  	_ =	shalt  }
0x6d: {  	_ =	shalt  }
0x6e: {  	_ =	shalt  }
0x6f: {  	_ =	shalt  }
0x70: {  	_ =	shalt  }
0x71: {  	_ =	shalt  }
0x72: {  	_ =	shalt  }
0x73: {  	_ =	shalt  }
0x74: {  	_ =	shalt  }
0x75: {  	_ =	shalt  }
0x76: {  	_ =	shalt  }
0x77: {  	_ =	shalt  }
0x78: {  	_ =	shalt  }
0x79: {  	_ =	shalt  }
0x7a: {  	_ =	shalt  }
0x7b: {  	_ =	shalt  }
0x7c: {  	_ =	shalt  }
0x7d: {  	_ =	shalt  }
0x7e: {  	_ =	shalt  }
0x7f: {  	_ =	shalt  }
0x80: {  	_ =	shalt  }
0x81: {  	_ =	shalt  }
0x82: {  	_ =	shalt  }
0x83: {  	_ =	shalt  }
0x84: {  	_ =	shalt  }
0x85: {  	_ =	shalt  }
0x86: {  	_ =	shalt  }
0x87: {  	_ =	shalt  }
.Lfunc_end0:
.L_simem_size_0:
called_computation_lowered:
.L_overlay_start_0:
0x88: {  	s2 =	sld [smem:$0x3FD9]  }
0x89: {  	s3 =	sld [smem:$0x3FFE];
	_ =	sdelay $0x1  }
0x8a: {  	s1 =	srdreg.scid  }
0x8b: {  	s0 =	sand.u32 $0x1, s1  }
0x8c: {  	s17 =	sshll.u32 s0, $0xA;
	s2 =	sadd.s32 s3, s2  }
0x8d: {  	s2 =	sadd.s32 s2, s17  }
0x8e: {  	[smem:$0x3FC3] =	sst s2  }
0x8f: {  	_ = 	snop  }
0x90: {  	s2 =	sld [smem:$0x3FC9];
	(tm) =	ssettm $0x1  }
0x91: {  	s18 =	sld [smem:$0x3FFB];
	_ =	sdelay $0x3  }
0x92: {  	_ =	strace s18  }
0x93: {  	s3 =	sld [smem:$0x3FFC];
	_ =	sdelay $0x3  }
0x94: {  	_ =	strace s3  }
0x95: {  	s3 =	sld [smem:$0x3FFD];
	_ =	sdelay $0x3  }
0x96: {  	_ =	strace s3  }
0x97: {  	_ =	strace $0x8FFFFFFF  }
0x98: {  	s19 =	sld [smem:$0x3FDB];
	_ =	sdelay $0x1  }
0x99: {  	s4 =	simm.s32 $_scs_section_size  }
0x9a: {  	s5 =	simm.s32 $_size__tile_overlayer_lowered;
	s6 =	simm.s32 $_tile_overlayer_lowered  }
0x9b: {  	s22 =	simm.s32 $0x1BFF;
	s21 =	sshll.u32 s6, $0x1;
	s3 =	sadd.s32 s4, s19  }
0x9c: {  	s7 =	simm.s32 $0x0;
	s20 =	sshll.u32 s5, $0x1;
	s5 =	sadd.s32 s21, s3  }
0x9d: {  	[timem:s7], [sflag:s22] =	dma.local [hbm:s5], s20  }
0x9e: {  	_ =	swait.ge [sflag:s22], s20  }
0x9f: {  	s4 =	ssub.s32 $0x0, s20;
	[sflag:s22] =	ssyncset.done $0x0  }
0xa0: {  	[sflag:s22] =	ssyncadd.s32 s4;
	_ =	sdelay $0x1  }
0xa1: {  	s23 =	simm.s32 $0x1B8B  }
0xa2: {  	_ =	swait.ge [sflag:s23], $0x1  }
0xa3: {  	[sflag:s23] =	ssyncset.done $0x0  }
0xa4: {  	s25 =	simm.s32 $0x1B8E;
	s24 =	sld [smem:$0x3FFE];
	[sflag:s23] =	ssyncadd.s32 $0xFFFFFFFF  }
0xa5: {  	s26 =	simm.s32 $execute0_lowered;
	[smem:$0x3FD2] =	sst s25  }
0xa6: {  	s5 =	sshll.u32 s26, $0x1;
	_ =	strace $0x80000046;
	[dreg:$0x1] =	wrdreg $0xFFFFFFFF  }
0xa7: {  	s28 =	simm.s32 $_size_execute0_lowered;
	s3 =	sadd.s32 s3, s5;
	[dreg:$0x0] =	wrdreg $0x0  }
0xa8: {  	s5 =	sshll.u32 s28, $0x1;
	[dreg:$0x2] =	wrdreg s3  }
0xa9: {  	[dreg:$0x3] =	wrdreg s5  }
0xaa: {  	[dreg:$0x4] =	wrdreg $0xC0  }
0xab: {  	_ =	task [dreg:s7], $0x5FFFF  }
0xac: {  	[dreg:$0x1] =	wrdreg $0xFFFFFFFF  }
0xad: {  	[dreg:$0x0] =	wrdreg $0x60  }
0xae: {  	[dreg:$0x2] =	wrdreg s2  }
0xaf: {  	[dreg:$0x3] =	wrdreg s24  }
0xb0: {  	[dreg:$0x4] =	wrdreg $0x9  }
0xb1: {  	_ =	task.clear_ibuf [dreg:s7], $0x5FFFF;
	_ =	strace $0x90000046  }
0xb2: {  	s29 =	simm.s32 $0x9;
	_ =	strace $0x80000048  }
0xb3: {  	_ =	swait.ge [sflag:s29], $0x1  }
0xb4: {  	[sflag:s29] =	ssyncadd.s32 $0xFFFFFFFF  }
0xb5: {  	_ =	strace $0x90000048  }
0xb6: {  	_ =	sfence  }
0xb7: {  	s30 =	sld [smem:$0x0];
	_ =	sdelay $0x2  }
0xb8: {  	s31 =	sshll.u32 s1, $0xD;
	s1 =	sshrl.u32 s1, $0x2  }
0xb9: {  	s3 =	sand.u32 $0x4000, s31;
	s1 =	sadd.s32 s1, s30  }
0xba: {  	s0 =	sor.u32 s3, s0;
	s1 =	sshll.u32 s1, $0x11  }
0xbb: {  	s0 =	sor.u32 s1, s0  }
0xbc: {  	s0 =	sadd.s32 $0x8F2B, s0  }
0xbd: {  	[sflag:s0] =	ssyncadd.remote.s32 $0x1  }
0xbe: {  	_ =	sfence.sel $0xFFFF  }
0xbf: {  	[dreg:$0x0] =	wrdreg $0xFFFFFFFF;
	(pc) =	sbr.abs _section_cstart, $3  }
0xc0: {  	[dreg:$0x1] =	wrdreg $0xFFFFFFFF  }
0xc1: {  	_ =	task.clear_ibuf [dreg:s7], $0x2FFFF;
	_ =	strace $0x9FFFFFFF  }
0xc2: {  	(tm) =	ssettm $0x7FFFFFFF  }
0xc3: {  	_ =	shalt  }
tec
execute0_lowered:
.L_overlay_start_1:
0x0: {  	(tag) =	ssettag $0x1  }
0x1: {  	s1 =	stileid.u32  }
0x2: {  	p0 =	sgt.u32 s1, $0x3  }
.Ltmp0:
0x3: {  	_ = 	snop;
	(pc) =	sbr.rel @p0 .LBB2_5-.Ltmp0, $4  }
0x4: {  	s2 =	rddreg [dreg:$0x0]  }
0x5: {  	s5 =	rddreg [dreg:$0x1];
	s3 =	simm.s32 $0x0  }
0x6: {  	[smem:$0x7FF] =	sst s3  }
0x7: {  	s0 =	rddreg [dreg:$0x2];
	_ =	strace $0x80000047  }
0x8: {  	s4 =	srdreg.scid  }
0x9: {  	s26 =	sshll.u32 s1, $0x1;
	s6 =	sand.u32 $0x1, s4  }
0xa: {  	s7 =	sor.u32 s6, s26  }
0xb: {  	p1 =	seq.s32 s6, $0x1;
	p0 =	seq.s32 s7, $0x0  }
0xc: {  	p0 =	por !p0, !p1  }
0xd: {  	s4 =	simm.s32 $0x1;
	p0 =	por !p0, !p0  }
0xe: {  	s4 =	simm.s32 @!p0 $0x0  }
0xf: {  	s8 =	ssub.s32 s1, s4  }
0x10: {  	s29 =	sadd.s32 $0xA00, s5;
	s4 =	sshll.u32 s8, $0xB  }
0x11: {  	s9 =	sshll.u32 s6, $0xC;
	s10 =	sshll.u32 s8, $0x7;
	s4 =	sand.u32 $0xFFFFE000, s4  }
0x12: {  	s12 =	simm.s32 $0x200;
	s28 =	sand.u32 $0x180, s10;
	s4 =	sor.u32 s9, s4  }
0x13: {  	s11 =	ssub.s32 $0x2, s6;
	s7 =	sshll.u32 s7, $0x8;
	s9 =	sor.u32 s28, s4  }
0x14: {  	s31 =	sshrl.u32 s11, $0x1;
	s7 =	sadd.s32 s29, s7;
	s9 =	sshrl.u32 s9, $0x3  }
0x15: {  	s10 =	simm.s32 $0x400;
	s4 =	simm.s32 $0x1;
	s30 =	sadd.s32 s9, s5  }
0x16: {  	s5 =	sshll.u32 s8, $0x15;
	s8 =	ssub.s32 s11, s31;
	s9 =	simm.s32 $0x80  }
0x17: {  	v0 =	vlaneseq.u32;
	s11 =	simm.s32 $0x800;
	s6 =	sadd.s32 $0x1200, s30;
	s8 =	smax.u32 s8, $0x1  }
.LBB2_2:
0x18: {  	s13 =	simm.s32 $0x0  }
0x19: {  	[tilespmem:s13], [sflag:$0x1] =	stream.linear.gather [hbm4b:s7+s13], $0x800, $0x38;
	[tilespmem:$0xC00] =	vst v63  }
0x1a: {  	_ =	swait.ge [sflag:s4], $0x800  }
0x1b: {  	[sflag:s4] =	ssyncset.done $0x0  }
0x1c: {  	[sflag:s4] =	ssyncadd.s32 $0xFFFFF800  }
0x1d: {  	v2 =	vld [tilespmem:s13+$0x0];
	_ =	sdelay $0x3  }
0x1e: {  	v3 =	vor.u32 s13, v0  }
0x1f: {  	v1 =	vimm.s32 $0x0;
	s14 =	simm.s32 $0x10;
	s13 =	simm.s32 $0x10;
	v2 =	vmul.u32 v3, v2  }
.LBB2_3:
0x20: {  	v3 =	vld [tilespmem:s14+$0x0];
	p0 =	sne.s32 s13, $0x7F0;
	s15 =	smov.u32 s13;
	s13 =	sadd.s32 $0x10, s13  }
.Ltmp1:
0x21: {  	vm0 =	vgt.s32 v1, v2;
	(pc) =	sbr.rel @p0 .LBB2_3-.Ltmp1, $3  }
0x22: {  	v1 =	vsel vm0, v1, v2;
	_ =	sdelay $0x1  }
0x23: {  	v2 =	vor.u32 s15, v0  }
0x24: {  	s14 =	sadd.s32 $0x10, s14;
	v2 =	vmul.u32 v2, v3  }
0x25: {  	_ = 	snop  }
0x26: {  	vm0 =	vgt.s32 v1, v2  }
0x27: {  	v1 =	vsel vm0, v1, v2  }
0x28: {  	v1 =	vxor.u32 $0x80000000, v1  }
0x29: {  	(xrf0) =	vmax.scan.msk.u32 $0xffff, v1;
	_ =	sdelay $0x5  }
0x2a: {  	v1, _, _ =	vpop (xrf0)  }
0x2b: {  	(v2sf) =	vpush v1, $0xF;
	_ =	sdelay $0xe  }
0x2c: {  	s13 =	spop (v2sf)  }
0x2d: {  	s14 =	sshll.u32 s13, $0xA  }
0x2e: {  	s13 =	sshll.u32 s13, $0x7;
	s14 =	sadd.s32 s5, s14  }
0x2f: {  	s13 =	sand.u32 $0x380, s13;
	s14 =	sand.u32 $0xFFFFE000, s14  }
0x30: {  	s13 =	sor.u32 s13, s14  }
0x31: {  	s13 =	sshrl.u32 s13, $0x3  }
0x32: {  	s13 =	sadd.s32 s2, s13  }
0x33: {  	[tilespmem:s11], [sflag:$0x1] =	stream.strided.gather [hbm4b:s13+s9], $0x400, s10, s9, $0x38;
	[tilespmem:$0xC00] =	vst v63  }
0x34: {  	s3 =	sadd.s32 $0x1, s3;
	_ =	swait.ge [sflag:s4], $0x400  }
0x35: {  	p0 =	sne.s32 s3, s8;
	[sflag:s4] =	ssyncset.done $0x0  }
.Ltmp2:
0x36: {  	[sflag:s4] =	ssyncadd.s32 $0xFFFFFC00;
	(pc) =	sbr.rel @p0 .LBB2_2-.Ltmp2, $4  }
0x37: {  	[hbm4b:s6+s9] =	stream.strided.scatter [tilespmem:s11], [sflag:$0x1], $0x400, s12, s9, $0x38;
	[tilespmem:$0xC00] =	vst v63  }
0x38: {  	_ =	swait.ge [sflag:s4], $0x400  }
0x39: {  	[sflag:s4] =	ssyncset.done $0x0  }
0x3a: {  	[sflag:s4] =	ssyncadd.s32 $0xFFFFFC00  }
.LBB2_5:
0x3b: {  	_ =	sfence.sel $0x180000  }
0x3c: {  	[bflag:$0x0] =	sbarrier.arrive $0xFFFF  }
0x3d: {  	p0 =	sne.s32 s1, $0x0;
	_ =	strace $0x90000047  }
0x3e: {  	s0 =	sadd.s32 @!p0 $0x100000, s0;
	[bflag:$0x2] =	sbarrier.arrive $0xFFFF  }
0x3f: {  	[sflag:s0] =	ssyncadd.tile.s32 @!p0 $0x1;
	_ =	shalt  }
.Lfunc_end2:
_tile_overlayer_lowered:
.L_overlay_start_2:
0x40: {  	(tag) =	ssettag $0x2  }
0x41: {  	s0 =	rddreg [dreg:$0x0];
	s2 =	stileid.u32  }
0x42: {  	s1 =	rddreg [dreg:$0x1];
	p0 =	sne.s32 s2, $0x0  }
0x43: {  	s3 =	rddreg [dreg:$0x2];
	[bflag:$0x3] =	sbarrier.arrive $0xFFFF;
	s2 =	simm.s32 @!p0 $0x1C01  }
0x44: {  	[timem:s3], [sflag:s2] =	dma.local @!p0 [hbm:s0], s1  }
0x45: {  	s0 =	simm.s32 @!p0 $0x1  }
0x46: {  	_ =	swait.ge @!p0 [sflag:s0], s1  }
0x47: {  	s1 =	ssub.s32 @!p0 $0x0, s1;
	[sflag:s0] =	ssyncset.done @!p0 $0x0  }
0x48: {  	[sflag:s0] =	ssyncadd.s32 @!p0 s1  }
0x49: {  	[bflag:$0x3] =	sbarrier.arrive $0xFFFF  }
0x4a: {  	_ =	shalt  }

</sc_bundles>
